<compile_context>
chip_gen: v7x
topology: tpu7x:2x2x1
jax: 0.10.2.dev20260603
libtpu: 0.0.44.dev20260713+nightly
codegen_flags: <defaults>
</compile_context>

<pallas_src>
import functools

import jax
import jax.numpy as jnp
from jax import lax
from jax.experimental import pallas as pl
from jax.experimental.pallas import tpu as pltpu
from jax.experimental.pallas import tpu_sc as plsc

IDIM = 512
EMBED = 1000
TB = 1024
CH = 128


def _sim_body(x_ref, w_ref, idx_ref, inv_ref):
    @pl.when(pl.program_id(0) == 0)
    def _():
        w = w_ref[...]
        inv_ref[...] = jax.lax.rsqrt(jnp.sum(w * w, axis=1))[None, :]

    x = x_ref[...]
    sim = jax.lax.dot_general(x, w_ref[...], (((1,), (1,)), ((), ())),
                              preferred_element_type=jnp.float32)
    sim = sim * inv_ref[...]
    m = jnp.max(sim, axis=1, keepdims=True)
    eids = jax.lax.broadcasted_iota(jnp.int32, sim.shape, 1)
    idx_ref[0, 0, :] = jnp.min(jnp.where(sim == m, eids, EMBED), axis=1)


def _gate_body(x_ref, an_ref, out_ref):
    x = x_ref[...]
    anchor = an_ref[...]
    a = anchor * x
    am = jnp.max(a, axis=1, keepdims=True)
    e = jnp.exp(a - am)
    g = e / jnp.sum(e, axis=1, keepdims=True)
    out_ref[...] = g * anchor


def _make_sc_gather(N):
    info = plsc.get_sparse_core_info()
    NC, NS = info.num_cores, info.num_subcores
    NW = NC * NS
    b_per_w = N // NW
    n_chunks = b_per_w // CH
    mesh = plsc.VectorSubcoreMesh(core_axis_name="c", subcore_axis_name="s")

    @functools.partial(
        pl.kernel, mesh=mesh,
        out_type=jax.ShapeDtypeStruct((N, IDIM), jnp.float32),
        scratch_types=[
            pltpu.VMEM((CH,), jnp.int32),
            pltpu.VMEM((CH, IDIM), jnp.float32),
            pltpu.SemaphoreType.DMA,
        ],
    )
    def gather(w_hbm, idx_hbm, out_hbm, idx_v, rows_v, sem):
        wid = lax.axis_index("s") * NC + lax.axis_index("c")
        base = wid * b_per_w

        def chunk(j, carry):
            off = base + j * CH
            pltpu.sync_copy(idx_hbm.at[pl.ds(off, CH)], idx_v)
            pltpu.async_copy(w_hbm.at[idx_v], rows_v, sem).wait()
            pltpu.sync_copy(rows_v, out_hbm.at[pl.ds(off, CH)])
            return carry

        lax.fori_loop(0, n_chunks, chunk, 0)

    return gather


def kernel(xs_pad_in, embed_weight):
    B, T, D = xs_pad_in.shape
    N = B * T
    nb = N // TB
    x2 = xs_pad_in.reshape(N, D)
    idx = pl.pallas_call(
        _sim_body,
        grid=(nb,),
        in_specs=[pl.BlockSpec((TB, D), lambda i: (i, 0)),
                  pl.BlockSpec((EMBED, D), lambda i: (0, 0))],
        out_specs=pl.BlockSpec((1, 1, TB), lambda i: (i, 0, 0)),
        out_shape=jax.ShapeDtypeStruct((nb, 1, TB), jnp.int32),
        scratch_shapes=[pltpu.VMEM((1, EMBED), jnp.float32)],
    )(x2, embed_weight)
    anchor = _make_sc_gather(N)(embed_weight, idx.reshape(N))
    out = pl.pallas_call(
        _gate_body,
        grid=(nb,),
        in_specs=[pl.BlockSpec((TB, D), lambda i: (i, 0)),
                  pl.BlockSpec((TB, D), lambda i: (i, 0))],
        out_specs=pl.BlockSpec((TB, D), lambda i: (i, 0)),
        out_shape=jax.ShapeDtypeStruct((N, D), jnp.float32),
    )(x2, anchor)
    anchors = out.reshape(B, 1, T, D)
    score_idxs = idx.reshape(B, 1, T)
    return anchors, score_idxs

# --- scband reference (transcript-rebuilt; emitter-appended) ---
"""Pipeline reference for scband-net-34900904247300 (READ-ONLY COPY).

The authoritative reference and input builder live on the scoring server;
editing this copy changes nothing except your own understanding.
"""

import jax, jax.numpy as jnp
import numpy as np

IDIM = 512
EMBED_DIM = 1000
ITER = 1
B = 8
T = 2048


def setup_inputs(seed: int = 0) -> dict:
    key = jax.random.key(seed)
    k1, k2 = jax.random.split(key)
    xs_pad_in = jax.random.normal(k1, (B, T, IDIM), dtype=jnp.float32)
    embed_weight = jax.random.normal(k2, (EMBED_DIM, IDIM), dtype=jnp.float32) * 0.02
    return {"xs_pad_in": xs_pad_in, "embed_weight": embed_weight}


def _clustering(x, embed_weight):
    # sim_prob = x @ W^T / ||W^T||_col  (cosine-style similarity, unnormalized x)
    norms = jnp.linalg.norm(embed_weight, axis=1)  # [E], same as norm of W.T over dim=0
    sim_prob = jnp.matmul(x, embed_weight.T) / norms[None, None, :]  # [B, T, E]
    score_idx = jnp.argmax(sim_prob, axis=-1)  # [B, T]
    anchor = jnp.take(embed_weight, score_idx, axis=0)  # [B, T, IDIM] embedding lookup
    anchor = jax.nn.softmax(anchor * x, axis=-1) * anchor  # gated anchor
    return anchor, score_idx, sim_prob


def reference(xs_pad_in, embed_weight):
    x = xs_pad_in
    anchors = []
    score_idxs = []
    for _ in range(ITER):
        anchor, score_idx, _ = _clustering(x, embed_weight)
        # residual update is detached in the original code
        x = jax.lax.stop_gradient(x - anchor)
        anchors.append(anchor)
        score_idxs.append(score_idx)
    anchors = jnp.stack(anchors, axis=1)  # [B, ITER, T, IDIM]
    score_idxs = jnp.stack(score_idxs, axis=1)  # [B, ITER, T]
    return anchors, score_idxs

if __name__ == "__main__":
    import jax
    _d = setup_inputs()
    print(jax.jit(kernel)(*tuple(_d.values())))

</pallas_src>

<mosaic_0001>
#map = affine_map<(d0, d1) -> (0, 0)>
#map1 = affine_map<(d0, d1) -> (0)>
module attributes {stable_mosaic.version = 14 : i64} {
  func.func @gather(%arg0: i32, %arg1: i32, %arg2: memref<1000x512xf32, #tpu.memory_space<hbm>>, %arg3: memref<16384xi32, #tpu.memory_space<hbm>>, %arg4: memref<16384x512xf32, #tpu.memory_space<hbm>>, %arg5: memref<128xi32, #tpu.memory_space<vmem>>, %arg6: memref<128x512xf32, #tpu.memory_space<vmem>>, %arg7: memref<!tpu.dma_semaphore, #tpu.memory_space<semaphore_mem>>) attributes {dimension_semantics = [#tpu.dimension_semantics<core_parallel>, #tpu.dimension_semantics<subcore_parallel>], iteration_bounds = array<i64: 2, 16>, scalar_prefetch = 0 : i64, scratch_operands = 3 : i64, tpu.core_type = #tpu.core_type<sc_vector_subcore>, window_params = [{transform_indices = #map}, {transform_indices = #map1}, {transform_indices = #map}]} {
    %mul3A = arith.constant 2 : i32
    %mul3A_0 = arith.muli %arg1, %mul3A : i32
    %add3A = arith.addi %mul3A_0, %arg0 : i32
    %mul3A_1 = arith.constant 512 : i32
    %mul3A_2 = arith.muli %add3A, %mul3A_1 : i32
    %scan3A = arith.constant 0 : i32
    %scan3A_3 = arith.constant 0 : i32
    %scan3A_4 = arith.constant 4 : i32
    %scan3A_5 = arith.addi %scan3A_3, %scan3A_4 : i32
    %scan3A_6 = arith.constant 1 : i32
    scf.for %scan3A_8 = %scan3A_3 to %scan3A_5 step %scan3A_6  : i32 {
      %mul3A_9 = arith.constant 128 : i32
      %mul3A_10 = arith.muli %scan3A_8, %mul3A_9 : i32
      %add3A_11 = arith.addi %mul3A_2, %mul3A_10 : i32
      "tpu.region"() ({
        %run_scoped3A = tpu.sem_alloc : memref<!tpu.dma_semaphore, #tpu.memory_space<semaphore_mem>>
        %dma_start3A_16 = tpu.memref_slice %arg3[%add3A_11] : memref<16384xi32, #tpu.memory_space<hbm>> -> memref<128xi32, #tpu.memory_space<hbm>>
        %dma_start3A_17 = tpu.memref_slice %arg3[%add3A_11] : memref<16384xi32, #tpu.memory_space<hbm>> -> memref<128xi32, #tpu.memory_space<hbm>>
        tpu.enqueue_dma source(%dma_start3A_17 : memref<128xi32, #tpu.memory_space<hbm>>) target(%arg5 : memref<128xi32, #tpu.memory_space<vmem>>) target_semaphore(%run_scoped3A : memref<!tpu.dma_semaphore, #tpu.memory_space<semaphore_mem>>)
        %dma_wait3A_18 = tpu.memref_slice %arg3[%add3A_11] : memref<16384xi32, #tpu.memory_space<hbm>> -> memref<128xi32, #tpu.memory_space<hbm>>
        %dma_wait3A_19 = tpu.memref_slice %arg3[%add3A_11] : memref<16384xi32, #tpu.memory_space<hbm>> -> memref<128xi32, #tpu.memory_space<hbm>>
        tpu.wait_dma2 semaphore(%run_scoped3A : memref<!tpu.dma_semaphore, #tpu.memory_space<semaphore_mem>>) src(%dma_wait3A_19 : memref<128xi32, #tpu.memory_space<hbm>>) dst(%arg5 : memref<128xi32, #tpu.memory_space<vmem>>)
        tpu.yield
      }) : () -> ()
      %dma_start3A = arith.constant 0 : i32
      %dma_start3A_12 = arith.constant 0 : i32
      %dma_start3A_13 = tpu.memref_slice %arg2[%dma_start3A, %dma_start3A_12] : memref<1000x512xf32, #tpu.memory_space<hbm>> -> memref<1000x512xf32, #tpu.memory_space<hbm>>
      tpu.enqueue_indirect_dma source(%dma_start3A_13 : memref<1000x512xf32, #tpu.memory_space<hbm>>) target(%arg6 : memref<128x512xf32, #tpu.memory_space<vmem>>) offsets(%arg5 : memref<128xi32, #tpu.memory_space<vmem>>) semaphore(%arg7 : memref<!tpu.dma_semaphore, #tpu.memory_space<semaphore_mem>>)
      %dma_wait3A = arith.constant 0 : i32
      %dma_wait3A_14 = arith.constant 0 : i32
      %dma_wait3A_15 = tpu.memref_slice %arg2[%dma_wait3A, %dma_wait3A_14] : memref<1000x512xf32, #tpu.memory_space<hbm>> -> memref<1000x512xf32, #tpu.memory_space<hbm>>
      tpu.wait_indirect_dma semaphore(%arg7 : memref<!tpu.dma_semaphore, #tpu.memory_space<semaphore_mem>>) src(%dma_wait3A_15 : memref<1000x512xf32, #tpu.memory_space<hbm>>) dst(%arg6 : memref<128x512xf32, #tpu.memory_space<vmem>>)
      "tpu.region"() ({
        %run_scoped3A = tpu.sem_alloc : memref<!tpu.dma_semaphore, #tpu.memory_space<semaphore_mem>>
        %dma_start3A_16 = arith.constant 0 : i32
        %dma_start3A_17 = tpu.memref_slice %arg4[%add3A_11, %dma_start3A_16] : memref<16384x512xf32, #tpu.memory_space<hbm>> -> memref<128x512xf32, #tpu.memory_space<hbm>>
        %dma_start3A_18 = arith.constant 0 : i32
        %dma_start3A_19 = tpu.memref_slice %arg4[%add3A_11, %dma_start3A_18] : memref<16384x512xf32, #tpu.memory_space<hbm>> -> memref<128x512xf32, #tpu.memory_space<hbm>>
        tpu.enqueue_dma source(%arg6 : memref<128x512xf32, #tpu.memory_space<vmem>>) target(%dma_start3A_19 : memref<128x512xf32, #tpu.memory_space<hbm>>) target_semaphore(%run_scoped3A : memref<!tpu.dma_semaphore, #tpu.memory_space<semaphore_mem>>)
        %dma_wait3A_20 = arith.constant 0 : i32
        %dma_wait3A_21 = tpu.memref_slice %arg4[%add3A_11, %dma_wait3A_20] : memref<16384x512xf32, #tpu.memory_space<hbm>> -> memref<128x512xf32, #tpu.memory_space<hbm>>
        %dma_wait3A_22 = arith.constant 0 : i32
        %dma_wait3A_23 = tpu.memref_slice %arg4[%add3A_11, %dma_wait3A_22] : memref<16384x512xf32, #tpu.memory_space<hbm>> -> memref<128x512xf32, #tpu.memory_space<hbm>>
        tpu.wait_dma2 semaphore(%run_scoped3A : memref<!tpu.dma_semaphore, #tpu.memory_space<semaphore_mem>>) src(%arg6 : memref<128x512xf32, #tpu.memory_space<vmem>>) dst(%dma_wait3A_23 : memref<128x512xf32, #tpu.memory_space<hbm>>)
        tpu.yield
      }) : () -> ()
    }
    %scan3A_7 = arith.constant 4 : i32
    return
  }
}

module attributes {stable_mosaic.version = 14 : i64} {
  func.func @_gate_body(%arg0: i32, %arg1: memref<1024x512xf32, #tpu.memory_space<vmem>>, %arg2: memref<1024x512xf32, #tpu.memory_space<vmem>>, %arg3: memref<1024x512xf32, #tpu.memory_space<vmem>>) attributes {dimension_semantics = [#tpu.dimension_semantics<arbitrary>], iteration_bounds = array<i64: 16>, scalar_prefetch = 0 : i64, scratch_operands = 0 : i64, tpu.core_type = #tpu.core_type<tc>, window_params = [{transform_indices = @transform_0, window_bounds = array<i64: 1024, 512>}, {transform_indices = @transform_1, window_bounds = array<i64: 1024, 512>}, {transform_indices = @transform_2, window_bounds = array<i64: 1024, 512>}]} {
    %get3A = arith.constant 0 : index
    %get3A_0 = arith.constant 0 : index
    %get3A_1 = vector.load %arg1[%get3A, %get3A_0] : memref<1024x512xf32, #tpu.memory_space<vmem>>, vector<1024x512xf32>
    %get3A_2 = arith.constant 0 : index
    %get3A_3 = arith.constant 0 : index
    %get3A_4 = vector.load %arg2[%get3A_2, %get3A_3] : memref<1024x512xf32, #tpu.memory_space<vmem>>, vector<1024x512xf32>
    %mul3A = arith.mulf %get3A_4, %get3A_1 : vector<1024x512xf32>
    %reduce_max3A = arith.constant dense<0xFF800000> : vector<1024xf32>
    %reduce_max3A_5 = vector.multi_reduction <maximumf>, %mul3A, %reduce_max3A [1] : vector<1024x512xf32> to vector<1024xf32>
    %broadcast_in_dim3A = vector.shape_cast %reduce_max3A_5 : vector<1024xf32> to vector<1024x1xf32>
    %sub3A = vector.broadcast %broadcast_in_dim3A : vector<1024x1xf32> to vector<1024x512xf32>
    %sub3A_6 = arith.subf %mul3A, %sub3A : vector<1024x512xf32>
    %exp3A = math.exp %sub3A_6 : vector<1024x512xf32>
    %reduce_sum3A = arith.constant dense<0.000000e+00> : vector<1024xf32>
    %reduce_sum3A_7 = vector.multi_reduction <add>, %exp3A, %reduce_sum3A [1] : vector<1024x512xf32> to vector<1024xf32>
    %broadcast_in_dim3A_8 = vector.shape_cast %reduce_sum3A_7 : vector<1024xf32> to vector<1024x1xf32>
    %div3A = vector.broadcast %broadcast_in_dim3A_8 : vector<1024x1xf32> to vector<1024x512xf32>
    %div3A_9 = arith.divf %exp3A, %div3A : vector<1024x512xf32>
    %mul3A_10 = arith.mulf %div3A_9, %get3A_4 : vector<1024x512xf32>
    %swap3A = arith.constant 0 : index
    %swap3A_11 = arith.constant 0 : index
    %swap3A_12 = vector.load %arg3[%swap3A, %swap3A_11] : memref<1024x512xf32, #tpu.memory_space<vmem>>, vector<1024x512xf32>
    tpu.vector_store %arg3[%swap3A, %swap3A_11], %mul3A_10 {strides = array<i32>} : memref<1024x512xf32, #tpu.memory_space<vmem>>, vector<1024x512xf32>,
    return
  }
  func.func @transform_0(%arg0: i32) -> (i32, i32) {
    %c0_i32 = arith.constant 0 : i32
    %c0_i32_0 = arith.constant 0 : i32
    return %arg0, %c0_i32 : i32, i32
  }
  func.func @transform_1(%arg0: i32) -> (i32, i32) {
    %c0_i32 = arith.constant 0 : i32
    %c0_i32_0 = arith.constant 0 : i32
    return %arg0, %c0_i32 : i32, i32
  }
  func.func @transform_2(%arg0: i32) -> (i32, i32) {
    %c0_i32 = arith.constant 0 : i32
    %c0_i32_0 = arith.constant 0 : i32
    return %arg0, %c0_i32 : i32, i32
  }
}

module attributes {stable_mosaic.version = 14 : i64} {
  func.func @_sim_body(%arg0: i32, %arg1: memref<1024x512xf32, #tpu.memory_space<vmem>>, %arg2: memref<1000x512xf32, #tpu.memory_space<vmem>>, %arg3: memref<1x1x1024xi32, #tpu.memory_space<vmem>>, %arg4: memref<1x1000xf32, #tpu.memory_space<vmem>>) attributes {dimension_semantics = [#tpu.dimension_semantics<arbitrary>], iteration_bounds = array<i64: 16>, scalar_prefetch = 0 : i64, scratch_operands = 1 : i64, tpu.core_type = #tpu.core_type<tc>, window_params = [{transform_indices = @transform_0, window_bounds = array<i64: 1024, 512>}, {pipeline_mode = #tpu.pipeline_mode<synchronous>, transform_indices = @transform_1, window_bounds = array<i64: 1000, 512>}, {transform_indices = @transform_2, window_bounds = array<i64: 1, 1, 1024>}]} {
    %eq3A = arith.constant 0 : i32
    %eq3A_0 = arith.cmpi eq, %arg0, %eq3A : i32
    %convert_element_type3A = arith.extui %eq3A_0 : i1 to i32
    %cond3A = arith.constant 0 : i32
    %cond3A_1 = arith.cmpi ne, %convert_element_type3A, %cond3A : i32
    scf.if %cond3A_1 {
      %get3A_22 = arith.constant 0 : index
      %get3A_23 = arith.constant 0 : index
      %get3A_24 = vector.load %arg2[%get3A_22, %get3A_23] : memref<1000x512xf32, #tpu.memory_space<vmem>>, vector<1000x512xf32>
      %mul3A_25 = arith.mulf %get3A_24, %get3A_24 : vector<1000x512xf32>
      %reduce_sum3A = arith.constant dense<0.000000e+00> : vector<1000xf32>
      %reduce_sum3A_26 = vector.multi_reduction <add>, %mul3A_25, %reduce_sum3A [1] : vector<1000x512xf32> to vector<1000xf32>
      %rsqrt3A = math.rsqrt %reduce_sum3A_26 : vector<1000xf32>
      %broadcast_in_dim3A_27 = vector.shape_cast %rsqrt3A : vector<1000xf32> to vector<1x1000xf32>
      %swap3A_28 = arith.constant 0 : index
      %swap3A_29 = arith.constant 0 : index
      %swap3A_30 = vector.load %arg4[%swap3A_28, %swap3A_29] : memref<1x1000xf32, #tpu.memory_space<vmem>>, vector<1x1000xf32>
      tpu.vector_store %arg4[%swap3A_28, %swap3A_29], %broadcast_in_dim3A_27 {strides = array<i32>} : memref<1x1000xf32, #tpu.memory_space<vmem>>, vector<1x1000xf32>,
    } else {
    }
    %get3A = arith.constant 0 : index
    %get3A_2 = arith.constant 0 : index
    %get3A_3 = vector.load %arg1[%get3A, %get3A_2] : memref<1024x512xf32, #tpu.memory_space<vmem>>, vector<1024x512xf32>
    %get3A_4 = arith.constant 0 : index
    %get3A_5 = arith.constant 0 : index
    %get3A_6 = vector.load %arg2[%get3A_4, %get3A_5] : memref<1000x512xf32, #tpu.memory_space<vmem>>, vector<1000x512xf32>
    %dot_general3A = arith.constant dense<0.000000e+00> : vector<1024x1000xf32>
    %dot_general3A_7 = tpu.matmul %get3A_3, %get3A_6, %dot_general3A {dimension_numbers = #tpu.dot_dimension_numbers<[1], [1], [0], [0], [0, 0, 1, 0], [], []>, transpose_lhs_hint = false} : vector<1024x512xf32>, vector<1000x512xf32>, vector<1024x1000xf32> -> vector<1024x1000xf32>
    %get3A_8 = arith.constant 0 : index
    %get3A_9 = arith.constant 0 : index
    %get3A_10 = vector.load %arg4[%get3A_8, %get3A_9] : memref<1x1000xf32, #tpu.memory_space<vmem>>, vector<1x1000xf32>
    %mul3A = vector.broadcast %get3A_10 : vector<1x1000xf32> to vector<1024x1000xf32>
    %mul3A_11 = arith.mulf %dot_general3A_7, %mul3A : vector<1024x1000xf32>
    %reduce_max3A = arith.constant dense<0xFF800000> : vector<1024xf32>
    %reduce_max3A_12 = vector.multi_reduction <maximumf>, %mul3A_11, %reduce_max3A [1] : vector<1024x1000xf32> to vector<1024xf32>
    %broadcast_in_dim3A = vector.shape_cast %reduce_max3A_12 : vector<1024xf32> to vector<1024x1xf32>
    %iota3A = tpu.iota {dimensions = array<i32: 1>} : vector<1024x1000xi32>
    %eq3A_13 = vector.broadcast %broadcast_in_dim3A : vector<1024x1xf32> to vector<1024x1000xf32>
    %eq3A_14 = arith.cmpf oeq, %mul3A_11, %eq3A_13 : vector<1024x1000xf32>
    %jit3A = arith.constant 1000 : i32
    %broadcast_in_dim3A_15 = vector.broadcast %jit3A : i32 to vector<1024x1000xi32>
    %select_n3A = arith.select %eq3A_14, %iota3A, %broadcast_in_dim3A_15 : vector<1024x1000xi1>, vector<1024x1000xi32>
    %reduce_min3A = arith.constant dense<2147483647> : vector<1024xi32>
    %reduce_min3A_16 = vector.multi_reduction <minsi>, %select_n3A, %reduce_min3A [1] : vector<1024x1000xi32> to vector<1024xi32>
    %swap3A = arith.constant 0 : index
    %swap3A_17 = arith.constant 0 : index
    %swap3A_18 = arith.constant 0 : index
    %swap3A_19 = vector.load %arg3[%swap3A, %swap3A_17, %swap3A_18] : memref<1x1x1024xi32, #tpu.memory_space<vmem>>, vector<1x1x1024xi32>
    %swap3A_20 = vector.shape_cast %swap3A_19 : vector<1x1x1024xi32> to vector<1024xi32>
    %swap3A_21 = vector.shape_cast %reduce_min3A_16 : vector<1024xi32> to vector<1x1x1024xi32>
    tpu.vector_store %arg3[%swap3A, %swap3A_17, %swap3A_18], %swap3A_21 {strides = array<i32>} : memref<1x1x1024xi32, #tpu.memory_space<vmem>>, vector<1x1x1024xi32>,
    return
  }
  func.func @transform_0(%arg0: i32) -> (i32, i32) {
    %c0_i32 = arith.constant 0 : i32
    %c0_i32_0 = arith.constant 0 : i32
    return %arg0, %c0_i32 : i32, i32
  }
  func.func @transform_1(%arg0: i32) -> (i32, i32) {
    %c0_i32 = arith.constant 0 : i32
    %c0_i32_0 = arith.constant 0 : i32
    %c0_i32_1 = arith.constant 0 : i32
    return %c0_i32, %c0_i32_0 : i32, i32
  }
  func.func @transform_2(%arg0: i32) -> (i32, i32, i32) {
    %c0_i32 = arith.constant 0 : i32
    %c0_i32_0 = arith.constant 0 : i32
    %c0_i32_1 = arith.constant 0 : i32
    return %arg0, %c0_i32, %c0_i32_0 : i32, i32, i32
  }
}

</mosaic_0001>

<sc_bundles>
// kernel: kernel.5.cloned.1.call-start
scs
__scs_entry_jumppad:
0x0: {  	(pc) =	sbr.rel $0x88, $3  }
0x1: {  	(tag) =	ssettag $0x0;
	lr =	simm.s32 $0x1  }
0x2: {  	[smem:$0x3F9F] =	sst lr;
	_ =	strace $0xD0000000  }
0x3: {  	_ = 	snop  }
0x4: {  	_ = 	snop  }
0x5: {  	_ = 	snop  }
0x6: {  	_ = 	snop  }
0x7: {  	_ = 	snop  }
__scs_overlays_trampoline_lowered:
0x8: {  	[smem:$0x3FAE] =	sst s0  }
0x9: {  	[smem:$0x3FAF] =	sst s1  }
0xa: {  	[smem:$0x3FB0] =	sst s2  }
0xb: {  	[smem:$0x3FB1] =	sst s3  }
0xc: {  	[smem:$0x3FB2] =	sst s4  }
0xd: {  	[smem:$0x3FB3] =	sst s5  }
0xe: {  	[smem:$0x3FB4] =	sst s6  }
0xf: {  	[smem:$0x3FB5] =	sst s7  }
0x10: {  	[smem:$0x3FB6] =	sst s8  }
0x11: {  	[smem:$0x3FB7] =	sst s9;
	s0 =	simm.s32 @!p0 $0x0  }
0x12: {  	s1 =	sld [smem:$0x3F9D];
	s0 =	simm.s32 @p0 $0x1  }
0x13: {  	[smem:$0x3FB8] =	sst s0;
	s0 =	simm.s32 @!p1 $0x0  }
0x14: {  	s2 =	sld [smem:$0x3F9C];
	s0 =	simm.s32 @p1 $0x1  }
0x15: {  	[smem:$0x3FB9] =	sst s0;
	s0 =	simm.s32 @!p2 $0x0  }
0x16: {  	s3 =	sld [smem:$0x3FDB];
	s0 =	simm.s32 @p2 $0x1  }
0x17: {  	s4 =	simm.s32 $0x1BF5;
	[smem:$0x3FBB] =	sst s0  }
0x18: {  	s0 =	sld [smem:$0x3F9E];
	_ =	swait.ge [sflag:s4], $0x0  }
0x19: {  	s7 =	sld [smem:$0x3F9F]  }
0x1a: {  	s8 =	sadd.s32 $0xFFFFE003, lr  }
0x1b: {  	s9 =	sadd.s32 $0xFFFFFEF7, lr;
	s5 =	simm.s32 $0xFFFFFFFF;
	p2 =	slt.u32 s8, $0xFFFFF086  }
0x1c: {  	p1 =	slt.u32 s9, $0xF7A;
	s5 =	simm.s32 @!p2 $0x0  }
0x1d: {  	s5 =	simm.s32 @p1 $0x1;
	p0 =	seq.s32 s7, s2  }
0x1e: {  	s7 =	smul.u32 @!p0 $0xF7A, s2;
	p2 =	seq.s32 @!p0 s5, $0x0  }
0x1f: {  	s9 =	smul.u32 $0xF7A, s1;
	s8 =	simm.s32 @!p0 $0x1BF5;
	p2 =	por !p2, p0  }
0x20: {  	[sflag:s8] =	ssyncset.s32 @!p0 $0xFFFFF086;
	s6 =	sadd.s32 @!p0 s3, s7;
	s7 =	simm.s32 @!p0 $0x108  }
0x21: {  	s3 =	sadd.s32 s3, s9;
	s6 =	sadd.s32 @!p0 $0x88, s6;
	s7 =	simm.s32 @p2 $0x1082  }
0x22: {  	[simem:s7], [sflag:s8] =	dma.local @!p0 [hbm:s6], $0xF7A  }
0x23: {  	s9 =	sor.u32 $0xD0000000, s2;
	s6 =	simm.s32 $0x108;
	_ =	swait.ge @!p0 [sflag:s8], $0x0  }
0x24: {  	s3 =	sadd.s32 $0x88, s3;
	s6 =	simm.s32 @!p1 $0x1082;
	[sflag:s4] =	ssyncset.s32 $0xFFFFF086  }
0x25: {  	[simem:s6], [sflag:s4] =	dma.local [hbm:s3], $0xF7A  }
0x26: {  	[smem:$0x3F9F] =	sst s1;
	(tag) =	ssettag s2;
	_ =	strace s9  }
0x27: {  	s1 =	sld [smem:$0x3FAF]  }
0x28: {  	s2 =	sld [smem:$0x3FB0]  }
0x29: {  	s4 =	sld [smem:$0x3FB2]  }
0x2a: {  	p0 =	seq.s32 s5, $0x0;
	s5 =	sld [smem:$0x3FB3]  }
0x2b: {  	s6 =	sld [smem:$0x3FB4]  }
0x2c: {  	s7 =	sld [smem:$0x3FB5]  }
0x2d: {  	s3 =	simm.s32 $0x108;
	s8 =	sld [smem:$0x3FB6]  }
0x2e: {  	s3 =	simm.s32 @!p0 $0x1082;
	s9 =	sld [smem:$0x3FB7]  }
0x2f: {  	lr =	sadd.s32 s0, s3;
	s0 =	sld [smem:$0x3FAE]  }
0x30: {  	s3 =	sld [smem:$0x3FB1]  }
0x31: {  	[smem:$0x3FBA] =	sst s10  }
0x32: {  	s10 =	sld [smem:$0x3FB8];
	_ =	sdelay $0x3  }
0x33: {  	p0 =	seq.s32 s10, $0x1;
	s10 =	sld [smem:$0x3FBA];
	_ =	sdelay $0x3  }
0x34: {  	[smem:$0x3FBA] =	sst s10  }
0x35: {  	s10 =	sld [smem:$0x3FB9];
	_ =	sdelay $0x3  }
0x36: {  	p1 =	seq.s32 s10, $0x1;
	s10 =	sld [smem:$0x3FBA];
	_ =	sdelay $0x3  }
0x37: {  	[smem:$0x3FBA] =	sst s10  }
0x38: {  	s10 =	sld [smem:$0x3FBB]  }
0x39: {  	_ = 	snop;
	(pc) =	sbr.ind lr, $3  }
0x3a: {  	_ = 	snop  }
0x3b: {  	_ = 	snop  }
0x3c: {  	p2 =	seq.s32 s10, $0x1;
	s10 =	sld [smem:$0x3FBA]  }
0x3d: {  	_ =	shalt  }
0x3e: {  	_ =	shalt  }
0x3f: {  	_ =	shalt  }
0x40: {  	_ =	shalt  }
0x41: {  	_ =	shalt  }
0x42: {  	_ =	shalt  }
0x43: {  	_ =	shalt  }
0x44: {  	_ =	shalt  }
0x45: {  	_ =	shalt  }
0x46: {  	_ =	shalt  }
0x47: {  	_ =	shalt  }
0x48: {  	_ =	shalt  }
0x49: {  	_ =	shalt  }
0x4a: {  	_ =	shalt  }
0x4b: {  	_ =	shalt  }
0x4c: {  	_ =	shalt  }
0x4d: {  	_ =	shalt  }
0x4e: {  	_ =	shalt  }
0x4f: {  	_ =	shalt  }
0x50: {  	_ =	shalt  }
0x51: {  	_ =	shalt  }
0x52: {  	_ =	shalt  }
0x53: {  	_ =	shalt  }
0x54: {  	_ =	shalt  }
0x55: {  	_ =	shalt  }
0x56: {  	_ =	shalt  }
0x57: {  	_ =	shalt  }
0x58: {  	_ =	shalt  }
0x59: {  	_ =	shalt  }
0x5a: {  	_ =	shalt  }
0x5b: {  	_ =	shalt  }
0x5c: {  	_ =	shalt  }
0x5d: {  	_ =	shalt  }
0x5e: {  	_ =	shalt  }
0x5f: {  	_ =	shalt  }
0x60: {  	_ =	shalt  }
0x61: {  	_ =	shalt  }
0x62: {  	_ =	shalt  }
0x63: {  	_ =	shalt  }
0x64: {  	_ =	shalt  }
0x65: {  	_ =	shalt  }
0x66: {  	_ =	shalt  }
0x67: {  	_ =	shalt  }
0x68: {  	_ =	shalt  }
0x69: {  	_ =	shalt  }
0x6a: {  	_ =	shalt  }
0x6b: {  	_ =	shalt  }
0x6c: {  	_ =	shalt  }
0x6d: {  	_ =	shalt  }
0x6e: {  	_ =	shalt  }
0x6f: {  	_ =	shalt  }
0x70: {  	_ =	shalt  }
0x71: {  	_ =	shalt  }
0x72: {  	_ =	shalt  }
0x73: {  	_ =	shalt  }
0x74: {  	_ =	shalt  }
0x75: {  	_ =	shalt  }
0x76: {  	_ =	shalt  }
0x77: {  	_ =	shalt  }
0x78: {  	_ =	shalt  }
0x79: {  	_ =	shalt  }
0x7a: {  	_ =	shalt  }
0x7b: {  	_ =	shalt  }
0x7c: {  	_ =	shalt  }
0x7d: {  	_ =	shalt  }
0x7e: {  	_ =	shalt  }
0x7f: {  	_ =	shalt  }
0x80: {  	_ =	shalt  }
0x81: {  	_ =	shalt  }
0x82: {  	_ =	shalt  }
0x83: {  	_ =	shalt  }
0x84: {  	_ =	shalt  }
0x85: {  	_ =	shalt  }
0x86: {  	_ =	shalt  }
0x87: {  	_ =	shalt  }
.Lfunc_end0:
.L_simem_size_0:
called_computation_lowered:
.L_overlay_start_0:
0x88: {  	s2 =	sld [smem:$0x3FD9]  }
0x89: {  	s3 =	sld [smem:$0x3FFE];
	_ =	sdelay $0x1  }
0x8a: {  	s1 =	srdreg.scid  }
0x8b: {  	s0 =	sand.u32 $0x1, s1  }
0x8c: {  	s14 =	sshll.u32 s0, $0xA;
	s2 =	sadd.s32 s3, s2  }
0x8d: {  	s2 =	sadd.s32 s2, s14  }
0x8e: {  	[smem:$0x3FC6] =	sst s2  }
0x8f: {  	_ = 	snop  }
0x90: {  	s2 =	sld [smem:$0x3FD0];
	_ =	sdelay $0x2  }
0x91: {  	s4 =	simm.s32 $0xA;
	s5 =	simm.s32 $0x10;
	s15 =	sld [smem:$0x3FC8]  }
0x92: {  	[smem:s5], [sflag:s4] =	dma.local [hbm:s2], $0x1  }
0x93: {  	_ =	swait.eq [sflag:s4], $0x1  }
0x94: {  	[sflag:s4] =	ssyncset.done $0x0  }
0x95: {  	[sflag:s4] =	ssyncadd.s32 $0xFFFFFFFF  }
0x96: {  	s16 =	sld [smem:$0x11];
	(tm) =	ssettm $0x1  }
0x97: {  	s17 =	sld [smem:$0x3FFB];
	_ =	sdelay $0x3  }
0x98: {  	_ =	strace s17  }
0x99: {  	s4 =	sld [smem:$0x3FFC];
	_ =	sdelay $0x3  }
0x9a: {  	_ =	strace s4  }
0x9b: {  	s4 =	sld [smem:$0x3FFD];
	_ =	sdelay $0x3  }
0x9c: {  	_ =	strace s4  }
0x9d: {  	_ =	strace $0x8FFFFFFF  }
0x9e: {  	s18 =	sld [smem:$0x3FDB];
	_ =	sdelay $0x1  }
0x9f: {  	s19 =	simm.s32 $_scs_section_size  }
0xa0: {  	s6 =	simm.s32 $_size__tile_overlayer_lowered;
	s7 =	simm.s32 $_tile_overlayer_lowered  }
0xa1: {  	s22 =	simm.s32 $0x1BFF;
	s21 =	sshll.u32 s7, $0x1;
	s4 =	sadd.s32 s19, s18  }
0xa2: {  	s8 =	simm.s32 $0x0;
	s20 =	sshll.u32 s6, $0x1;
	s6 =	sadd.s32 s21, s4  }
0xa3: {  	[timem:s8], [sflag:s22] =	dma.local [hbm:s6], s20  }
0xa4: {  	_ =	swait.ge [sflag:s22], s20  }
0xa5: {  	s5 =	ssub.s32 $0x0, s20;
	[sflag:s22] =	ssyncset.done $0x0  }
0xa6: {  	[sflag:s22] =	ssyncadd.s32 s5;
	_ =	sdelay $0x1  }
0xa7: {  	s23 =	simm.s32 $0x1B8B  }
0xa8: {  	_ =	swait.ge [sflag:s23], $0x1  }
0xa9: {  	[sflag:s23] =	ssyncset.done $0x0  }
0xaa: {  	s25 =	simm.s32 $0x1B8E;
	s24 =	sld [smem:$0x3FFE];
	[sflag:s23] =	ssyncadd.s32 $0xFFFFFFFF  }
0xab: {  	s26 =	simm.s32 $execute0_lowered;
	[smem:$0x3FD2] =	sst s25  }
0xac: {  	s6 =	sshll.u32 s26, $0x1;
	_ =	strace $0x80000046;
	[dreg:$0x1] =	wrdreg $0xFFFFFFFF  }
0xad: {  	s28 =	simm.s32 $_size_execute0_lowered;
	s4 =	sadd.s32 s4, s6;
	[dreg:$0x0] =	wrdreg $0x0  }
0xae: {  	s6 =	sshll.u32 s28, $0x1;
	[dreg:$0x2] =	wrdreg s4  }
0xaf: {  	[dreg:$0x3] =	wrdreg s6  }
0xb0: {  	[dreg:$0x4] =	wrdreg $0xC0  }
0xb1: {  	_ =	task [dreg:s8], $0x5FFFF  }
0xb2: {  	[dreg:$0x1] =	wrdreg $0xFFFFFFFF  }
0xb3: {  	[dreg:$0x0] =	wrdreg $0x60  }
0xb4: {  	[dreg:$0x2] =	wrdreg s15  }
0xb5: {  	[dreg:$0x3] =	wrdreg s16  }
0xb6: {  	[dreg:$0x4] =	wrdreg s24  }
0xb7: {  	[dreg:$0x5] =	wrdreg $0x9  }
0xb8: {  	_ =	task.clear_ibuf [dreg:s8], $0x6FFFF;
	_ =	strace $0x90000046  }
0xb9: {  	s29 =	simm.s32 $0x9;
	_ =	strace $0x80000048  }
0xba: {  	_ =	swait.ge [sflag:s29], $0x1  }
0xbb: {  	[sflag:s29] =	ssyncadd.s32 $0xFFFFFFFF  }
0xbc: {  	_ =	strace $0x90000048  }
0xbd: {  	_ =	sfence  }
0xbe: {  	s30 =	sld [smem:$0x0];
	_ =	sdelay $0x2  }
0xbf: {  	s31 =	sshll.u32 s1, $0xD;
	s1 =	sshrl.u32 s1, $0x2  }
0xc0: {  	s3 =	sand.u32 $0x4000, s31;
	s1 =	sadd.s32 s1, s30  }
0xc1: {  	s0 =	sor.u32 s3, s0;
	s1 =	sshll.u32 s1, $0x11  }
0xc2: {  	s0 =	sor.u32 s1, s0  }
0xc3: {  	s0 =	sadd.s32 $0x8F2B, s0  }
0xc4: {  	[sflag:s0] =	ssyncadd.remote.s32 $0x1  }
0xc5: {  	_ =	sfence.sel $0xFFFF  }
0xc6: {  	[dreg:$0x0] =	wrdreg $0xFFFFFFFF;
	(pc) =	sbr.abs _section_cstart, $3  }
0xc7: {  	[dreg:$0x1] =	wrdreg $0xFFFFFFFF  }
0xc8: {  	_ =	task.clear_ibuf [dreg:s8], $0x2FFFF;
	_ =	strace $0x9FFFFFFF  }
0xc9: {  	(tm) =	ssettm $0x7FFFFFFF  }
tec
execute0_lowered:
.L_overlay_start_1:
0x0: {  	(tag) =	ssettag $0x1  }
0x1: {  	s1 =	rddreg [dreg:$0x0];
	s0 =	srdreg.scid  }
0x2: {  	s2 =	rddreg [dreg:$0x1];
	s7 =	stileid.u32  }
0x3: {  	s4 =	rddreg [dreg:$0x2];
	s3 =	simm.s32 $0x0;
	s13 =	simm.s32 $0x880  }
0x4: {  	s15 =	simm.s32 $0x1080;
	s17 =	simm.s32 $0x1880;
	s19 =	simm.s32 $0x2080  }
0x5: {  	s20 =	simm.s32 $0x2880;
	s21 =	simm.s32 $0x3080;
	s22 =	simm.s32 $0x3880  }
0x6: {  	s23 =	simm.s32 $0x4080;
	s24 =	simm.s32 $0x4880;
	[smem:$0x7FF] =	sst s3  }
0x7: {  	s25 =	simm.s32 $0x5080;
	_ =	strace $0x80000047;
	[dreg:$0x5] =	wrdreg s13  }
0x8: {  	s26 =	simm.s32 $0x5880;
	s8 =	simm.s32 $0x80;
	[dreg:$0x6] =	wrdreg s15  }
0x9: {  	s9 =	simm.s32 $0x6080;
	s10 =	simm.s32 $0x6880;
	[dreg:$0x7] =	wrdreg s17  }
0xa: {  	s11 =	simm.s32 $0x7080;
	s28 =	simm.s32 $0xF080;
	[dreg:$0x8] =	wrdreg s19  }
0xb: {  	s29 =	simm.s32 $0xF880;
	s30 =	simm.s32 $0x1;
	[dreg:$0x9] =	wrdreg s20  }
0xc: {  	s31 =	simm.s32 $0x0;
	s0 =	sand.u32 $0x1, s0;
	[dreg:$0xa] =	wrdreg s21  }
0xd: {  	s5 =	sshll.u32 s7, $0xA;
	s12 =	sshll.u32 s7, $0x10;
	[dreg:$0xb] =	wrdreg s22  }
0xe: {  	s7 =	simm.s32 $0x2;
	s6 =	sshll.u32 s0, $0x9;
	[dreg:$0xc] =	wrdreg s23  }
0xf: {  	s14 =	sadd.s32 s12, s4;
	s16 =	ssub.s32 $0x2, s0;
	[dreg:$0xd] =	wrdreg s24  }
0x10: {  	s4 =	sadd.s32 $0x100, s1;
	s0 =	sshll.u32 s0, $0xF;
	[dreg:$0xe] =	wrdreg s25  }
0x11: {  	[dreg:$0xf] =	wrdreg s26;
	s12 =	simm.s32 $0x7880;
	s13 =	simm.s32 $0x8080  }
0x12: {  	s15 =	simm.s32 $0x9080;
	s17 =	simm.s32 $0xA080;
	s19 =	simm.s32 $0xB080  }
0x13: {  	s20 =	simm.s32 $0xB880;
	s21 =	simm.s32 $0xC080;
	s22 =	simm.s32 $0xC880  }
0x14: {  	s23 =	simm.s32 $0xD080;
	s24 =	simm.s32 $0xD880;
	s25 =	simm.s32 $0xE080  }
0x15: {  	s26 =	simm.s32 $0xE880;
	s5 =	sor.u32 s6, s5;
	s0 =	sadd.s32 s0, s14  }
0x16: {  	s18 =	sshrl.u32 s16, $0x1;
	s5 =	sshrl.u32 s5, $0x3;
	s0 =	sadd.s32 $0x600, s0  }
0x17: {  	v2 =	vlaneseq.u32;
	s2 =	sadd.s32 s5, s2;
	s5 =	ssub.s32 s16, s18;
	[dreg:$0x11] =	wrdreg s0  }
0x18: {  	vm0 =	vmmov $0xffff;
	v1 =	vshrl.u32 v2, $0x3;
	s14 =	simm.s32 $0x8880;
	[dreg:$0x4] =	wrdreg s2;
	s5 =	smax.u32 s5, $0x1  }
0x19: {  	v0 =	vand.u32 $0x7, v2;
	v2 =	vor.u32 $0x8, v2;
	v1 =	vmul.u32 $0x8, v1;
	s16 =	simm.s32 $0x9880;
	s18 =	simm.s32 $0xA880;
	[dreg:$0x10] =	wrdreg s5  }
.LBB2_1:
0x1a: {  	s6 =	rddreg [dreg:$0x11];
	s0 =	simm.s32 $0x0  }
.LBB2_2:
0x1b: {  	s5 =	rddreg [dreg:$0x4]  }
0x1c: {  	s5 =	sadd.s32 s0, s5  }
0x1d: {  	[tilespmem:s3], [sflag:$0x2] =	stream.linear.gather [hbm4b:s5+s3], $0x80, $0x38;
	[tilespmem:$0x10080] =	vst v63  }
0x1e: {  	_ =	swait.ge [sflag:s7], $0x80  }
0x1f: {  	[sflag:s7] =	ssyncset.done $0x0  }
0x20: {  	[sflag:s7] =	ssyncadd.s32 $0xFFFFFF80  }
0x21: {  	v3 =	vld [tilespmem:$0x0];
	_ =	sdelay $0x4  }
0x22: {  	v4 =	vshll.u32 v3, $0x2  }
0x23: {  	v3 =	vand.u32 $0x7, v3;
	v4 =	vand.u32 $0xFFFFFFE0, v4  }
0x24: {  	v3 =	vor.u32 v3, v4  }
0x25: {  	v4 =	vperm.xlane v3, v0;
	_ =	sdelay $0x1  }
0x26: {  	v4 =	vadd.s32 v1, v4;
	_ =	sdelay $0x1  }
0x27: {  	v3 =	vperm.xlane v3, v2;
	_ =	sdelay $0x1  }
0x28: {  	v3 =	vadd.s32 v1, v3  }
0x29: {  	[tilespmem:s8], [sflag:$0x1] =	stream.indirect_vreg.gather [hbm4b:s1+s3], $0x80, v4, vm0, $0xb8;
	[tilespmem:$0x10080] =	vst v63  }
0x2a: {  	s5 =	rddreg [dreg:$0x5]  }
0x2b: {  	[tilespmem:s5], [sflag:$0x1] =	stream.indirect_vreg.gather [hbm4b:s4+s3], $0x80, v4, vm0, $0xb8;
	[tilespmem:$0x10080] =	vst v63  }
0x2c: {  	s2 =	rddreg [dreg:$0x6]  }
0x2d: {  	[tilespmem:s2], [sflag:$0x1] =	stream.indirect_vreg.gather [hbm4b:s1+s3], $0x80, v3, vm0, $0xb8;
	[tilespmem:$0x10080] =	vst v63  }
0x2e: {  	s5 =	rddreg [dreg:$0x7]  }
0x2f: {  	[tilespmem:s5], [sflag:$0x1] =	stream.indirect_vreg.gather [hbm4b:s4+s3], $0x80, v3, vm0, $0xb8;
	[tilespmem:$0x10080] =	vst v63  }
0x30: {  	v3 =	vld [tilespmem:$0x10];
	_ =	sdelay $0x4  }
0x31: {  	v57 =	vshll.u32 v3, $0x2  }
0x32: {  	v3 =	vand.u32 $0x7, v3;
	v4 =	vand.u32 $0xFFFFFFE0, v57  }
0x33: {  	v3 =	vor.u32 v3, v4  }
0x34: {  	v4 =	vperm.xlane v3, v0;
	_ =	sdelay $0x1  }
0x35: {  	v4 =	vadd.s32 v1, v4;
	_ =	sdelay $0x1  }
0x36: {  	v3 =	vperm.xlane v3, v2;
	_ =	sdelay $0x1  }
0x37: {  	s2 =	rddreg [dreg:$0x8];
	v3 =	vadd.s32 v1, v3  }
0x38: {  	[tilespmem:s2], [sflag:$0x1] =	stream.indirect_vreg.gather [hbm4b:s1+s3], $0x80, v4, vm0, $0xb8;
	[tilespmem:$0x10080] =	vst v63  }
0x39: {  	s5 =	rddreg [dreg:$0x9]  }
0x3a: {  	[tilespmem:s5], [sflag:$0x1] =	stream.indirect_vreg.gather [hbm4b:s4+s3], $0x80, v4, vm0, $0xb8;
	[tilespmem:$0x10080] =	vst v63  }
0x3b: {  	s2 =	rddreg [dreg:$0xa]  }
0x3c: {  	[tilespmem:s2], [sflag:$0x1] =	stream.indirect_vreg.gather [hbm4b:s1+s3], $0x80, v3, vm0, $0xb8;
	[tilespmem:$0x10080] =	vst v63  }
0x3d: {  	s5 =	rddreg [dreg:$0xb]  }
0x3e: {  	[tilespmem:s5], [sflag:$0x1] =	stream.indirect_vreg.gather [hbm4b:s4+s3], $0x80, v3, vm0, $0xb8;
	[tilespmem:$0x10080] =	vst v63  }
0x3f: {  	v3 =	vld [tilespmem:$0x20];
	_ =	sdelay $0x4  }
0x40: {  	v58 =	vshll.u32 v3, $0x2  }
0x41: {  	v3 =	vand.u32 $0x7, v3;
	v4 =	vand.u32 $0xFFFFFFE0, v58  }
0x42: {  	v3 =	vor.u32 v3, v4  }
0x43: {  	v4 =	vperm.xlane v3, v0;
	_ =	sdelay $0x1  }
0x44: {  	v4 =	vadd.s32 v1, v4;
	_ =	sdelay $0x1  }
0x45: {  	v3 =	vperm.xlane v3, v2;
	_ =	sdelay $0x1  }
0x46: {  	s2 =	rddreg [dreg:$0xc];
	v3 =	vadd.s32 v1, v3  }
0x47: {  	[tilespmem:s2], [sflag:$0x1] =	stream.indirect_vreg.gather [hbm4b:s1+s3], $0x80, v4, vm0, $0xb8;
	[tilespmem:$0x10080] =	vst v63  }
0x48: {  	s5 =	rddreg [dreg:$0xd]  }
0x49: {  	[tilespmem:s5], [sflag:$0x1] =	stream.indirect_vreg.gather [hbm4b:s4+s3], $0x80, v4, vm0, $0xb8;
	[tilespmem:$0x10080] =	vst v63  }
0x4a: {  	s2 =	rddreg [dreg:$0xe]  }
0x4b: {  	[tilespmem:s2], [sflag:$0x1] =	stream.indirect_vreg.gather [hbm4b:s1+s3], $0x80, v3, vm0, $0xb8;
	[tilespmem:$0x10080] =	vst v63  }
0x4c: {  	s5 =	rddreg [dreg:$0xf]  }
0x4d: {  	[tilespmem:s5], [sflag:$0x1] =	stream.indirect_vreg.gather [hbm4b:s4+s3], $0x80, v3, vm0, $0xb8;
	[tilespmem:$0x10080] =	vst v63  }
0x4e: {  	v3 =	vld [tilespmem:$0x30];
	_ =	sdelay $0x4  }
0x4f: {  	v59 =	vshll.u32 v3, $0x2  }
0x50: {  	v3 =	vand.u32 $0x7, v3;
	v4 =	vand.u32 $0xFFFFFFE0, v59  }
0x51: {  	v3 =	vor.u32 v3, v4  }
0x52: {  	v4 =	vperm.xlane v3, v0;
	_ =	sdelay $0x1  }
0x53: {  	v4 =	vadd.s32 v1, v4;
	_ =	sdelay $0x1  }
0x54: {  	v3 =	vperm.xlane v3, v2;
	_ =	sdelay $0x1  }
0x55: {  	v3 =	vadd.s32 v1, v3  }
0x56: {  	[tilespmem:s9], [sflag:$0x1] =	stream.indirect_vreg.gather [hbm4b:s1+s3], $0x80, v4, vm0, $0xb8;
	[tilespmem:$0x10080] =	vst v63  }
0x57: {  	_ = 	snop  }
0x58: {  	[tilespmem:s10], [sflag:$0x1] =	stream.indirect_vreg.gather [hbm4b:s4+s3], $0x80, v4, vm0, $0xb8;
	[tilespmem:$0x10080] =	vst v63  }
0x59: {  	_ = 	snop  }
0x5a: {  	[tilespmem:s11], [sflag:$0x1] =	stream.indirect_vreg.gather [hbm4b:s1+s3], $0x80, v3, vm0, $0xb8;
	[tilespmem:$0x10080] =	vst v63  }
0x5b: {  	_ = 	snop  }
0x5c: {  	[tilespmem:s12], [sflag:$0x1] =	stream.indirect_vreg.gather [hbm4b:s4+s3], $0x80, v3, vm0, $0xb8;
	[tilespmem:$0x10080] =	vst v63  }
0x5d: {  	v3 =	vld [tilespmem:$0x40];
	_ =	sdelay $0x4  }
0x5e: {  	v60 =	vshll.u32 v3, $0x2  }
0x5f: {  	v3 =	vand.u32 $0x7, v3;
	v4 =	vand.u32 $0xFFFFFFE0, v60  }
0x60: {  	v3 =	vor.u32 v3, v4  }
0x61: {  	v4 =	vperm.xlane v3, v0;
	_ =	sdelay $0x1  }
0x62: {  	v4 =	vadd.s32 v1, v4;
	_ =	sdelay $0x1  }
0x63: {  	v3 =	vperm.xlane v3, v2;
	_ =	sdelay $0x1  }
0x64: {  	v3 =	vadd.s32 v1, v3  }
0x65: {  	[tilespmem:s13], [sflag:$0x1] =	stream.indirect_vreg.gather [hbm4b:s1+s3], $0x80, v4, vm0, $0xb8;
	[tilespmem:$0x10080] =	vst v63  }
0x66: {  	_ = 	snop  }
0x67: {  	[tilespmem:s14], [sflag:$0x1] =	stream.indirect_vreg.gather [hbm4b:s4+s3], $0x80, v4, vm0, $0xb8;
	[tilespmem:$0x10080] =	vst v63  }
0x68: {  	_ = 	snop  }
0x69: {  	[tilespmem:s15], [sflag:$0x1] =	stream.indirect_vreg.gather [hbm4b:s1+s3], $0x80, v3, vm0, $0xb8;
	[tilespmem:$0x10080] =	vst v63  }
0x6a: {  	_ = 	snop  }
0x6b: {  	[tilespmem:s16], [sflag:$0x1] =	stream.indirect_vreg.gather [hbm4b:s4+s3], $0x80, v3, vm0, $0xb8;
	[tilespmem:$0x10080] =	vst v63  }
0x6c: {  	v3 =	vld [tilespmem:$0x50];
	_ =	sdelay $0x4  }
0x6d: {  	v61 =	vshll.u32 v3, $0x2  }
0x6e: {  	v3 =	vand.u32 $0x7, v3;
	v4 =	vand.u32 $0xFFFFFFE0, v61  }
0x6f: {  	v3 =	vor.u32 v3, v4  }
0x70: {  	v4 =	vperm.xlane v3, v0;
	_ =	sdelay $0x1  }
0x71: {  	v4 =	vadd.s32 v1, v4;
	_ =	sdelay $0x1  }
0x72: {  	v3 =	vperm.xlane v3, v2;
	_ =	sdelay $0x1  }
0x73: {  	v3 =	vadd.s32 v1, v3  }
0x74: {  	[tilespmem:s17], [sflag:$0x1] =	stream.indirect_vreg.gather [hbm4b:s1+s3], $0x80, v4, vm0, $0xb8;
	[tilespmem:$0x10080] =	vst v63  }
0x75: {  	_ = 	snop  }
0x76: {  	[tilespmem:s18], [sflag:$0x1] =	stream.indirect_vreg.gather [hbm4b:s4+s3], $0x80, v4, vm0, $0xb8;
	[tilespmem:$0x10080] =	vst v63  }
0x77: {  	_ = 	snop  }
0x78: {  	[tilespmem:s19], [sflag:$0x1] =	stream.indirect_vreg.gather [hbm4b:s1+s3], $0x80, v3, vm0, $0xb8;
	[tilespmem:$0x10080] =	vst v63  }
0x79: {  	_ = 	snop  }
0x7a: {  	[tilespmem:s20], [sflag:$0x1] =	stream.indirect_vreg.gather [hbm4b:s4+s3], $0x80, v3, vm0, $0xb8;
	[tilespmem:$0x10080] =	vst v63  }
0x7b: {  	v3 =	vld [tilespmem:$0x60];
	_ =	sdelay $0x4  }
0x7c: {  	v62 =	vshll.u32 v3, $0x2  }
0x7d: {  	v3 =	vand.u32 $0x7, v3;
	v4 =	vand.u32 $0xFFFFFFE0, v62  }
0x7e: {  	v3 =	vor.u32 v3, v4  }
0x7f: {  	v4 =	vperm.xlane v3, v0;
	_ =	sdelay $0x1  }
0x80: {  	v4 =	vadd.s32 v1, v4;
	_ =	sdelay $0x1  }
0x81: {  	v3 =	vperm.xlane v3, v2;
	_ =	sdelay $0x1  }
0x82: {  	v3 =	vadd.s32 v1, v3  }
0x83: {  	[tilespmem:s21], [sflag:$0x1] =	stream.indirect_vreg.gather [hbm4b:s1+s3], $0x80, v4, vm0, $0xb8;
	[tilespmem:$0x10080] =	vst v63  }
0x84: {  	_ = 	snop  }
0x85: {  	[tilespmem:s22], [sflag:$0x1] =	stream.indirect_vreg.gather [hbm4b:s4+s3], $0x80, v4, vm0, $0xb8;
	[tilespmem:$0x10080] =	vst v63  }
0x86: {  	_ = 	snop  }
0x87: {  	[tilespmem:s23], [sflag:$0x1] =	stream.indirect_vreg.gather [hbm4b:s1+s3], $0x80, v3, vm0, $0xb8;
	[tilespmem:$0x10080] =	vst v63  }
0x88: {  	_ = 	snop  }
0x89: {  	[tilespmem:s24], [sflag:$0x1] =	stream.indirect_vreg.gather [hbm4b:s4+s3], $0x80, v3, vm0, $0xb8;
	[tilespmem:$0x10080] =	vst v63  }
0x8a: {  	v3 =	vld [tilespmem:$0x70];
	_ =	sdelay $0x4  }
0x8b: {  	v63 =	vshll.u32 v3, $0x2  }
0x8c: {  	v3 =	vand.u32 $0x7, v3;
	v4 =	vand.u32 $0xFFFFFFE0, v63  }
0x8d: {  	v3 =	vor.u32 v3, v4  }
0x8e: {  	v4 =	vperm.xlane v3, v0;
	_ =	sdelay $0x1  }
0x8f: {  	v4 =	vadd.s32 v1, v4;
	_ =	sdelay $0x1  }
0x90: {  	v3 =	vperm.xlane v3, v2;
	_ =	sdelay $0x1  }
0x91: {  	v3 =	vadd.s32 v1, v3  }
0x92: {  	[tilespmem:s25], [sflag:$0x1] =	stream.indirect_vreg.gather [hbm4b:s1+s3], $0x80, v4, vm0, $0xb8;
	[tilespmem:$0x10080] =	vst v63  }
0x93: {  	_ = 	snop  }
0x94: {  	[tilespmem:s26], [sflag:$0x1] =	stream.indirect_vreg.gather [hbm4b:s4+s3], $0x80, v4, vm0, $0xb8;
	[tilespmem:$0x10080] =	vst v63  }
0x95: {  	_ = 	snop  }
0x96: {  	[tilespmem:s28], [sflag:$0x1] =	stream.indirect_vreg.gather [hbm4b:s1+s3], $0x80, v3, vm0, $0xb8;
	[tilespmem:$0x10080] =	vst v63  }
0x97: {  	_ = 	snop  }
0x98: {  	[tilespmem:s29], [sflag:$0x1] =	stream.indirect_vreg.gather [hbm4b:s4+s3], $0x80, v3, vm0, $0xb8;
	[tilespmem:$0x10080] =	vst v63  }
0x99: {  	_ =	swait.ge [sflag:s30], $0x10000  }
0x9a: {  	p0 =	sne.s32 s0, $0x30;
	[sflag:s30] =	ssyncset.done $0x0  }
.Ltmp0:
0x9b: {  	[sflag:s30] =	ssyncadd.s32 $0xFFFF0000;
	(pc) =	sbr.rel @p0 .LBB2_2-.Ltmp0, $4  }
0x9c: {  	[hbm4b:s6+s3] =	stream.linear.scatter [tilespmem:s8], [sflag:$0x2], $0x10000, $0x38;
	[tilespmem:$0x10080] =	vst v63  }
0x9d: {  	_ =	swait.ge [sflag:s7], $0x10000  }
0x9e: {  	[sflag:s7] =	ssyncset.done $0x0  }
0x9f: {  	s0 =	sadd.s32 $0x10, s0;
	s6 =	sadd.s32 $0x2000, s6;
	[sflag:s7] =	ssyncadd.s32 $0xFFFF0000  }
0xa0: {  	s31 =	sadd.s32 $0x1, s31;
	s0 =	rddreg [dreg:$0x10]  }
0xa1: {  	p0 =	sne.s32 s31, s0  }
.Ltmp1:
0xa2: {  	_ = 	snop;
	(pc) =	sbr.rel @p0 .LBB2_1-.Ltmp1, $1  }
0xa3: {  	_ =	sdelay $0x3  }
0xa4: {  	_ =	sfence.sel $0x180000  }
0xa5: {  	[bflag:$0x0] =	sbarrier.arrive $0xFFFF  }
0xa6: {  	_ =	strace $0x90000047  }
0xa7: {  	s0 =	stileid.u32;
	[bflag:$0x2] =	sbarrier.arrive $0xFFFF  }
0xa8: {  	p0 =	sne.s32 s0, $0x0;
	s0 =	rddreg [dreg:$0x3]  }
0xa9: {  	s0 =	sadd.s32 @!p0 $0x100000, s0  }
0xaa: {  	[sflag:s0] =	ssyncadd.tile.s32 @!p0 $0x1;
	_ =	shalt  }
.Lfunc_end2:
_tile_overlayer_lowered:
.L_overlay_start_2:
0xab: {  	(tag) =	ssettag $0x2  }
0xac: {  	s0 =	rddreg [dreg:$0x0];
	s2 =	stileid.u32  }
0xad: {  	s1 =	rddreg [dreg:$0x1];
	p0 =	sne.s32 s2, $0x0  }
0xae: {  	s3 =	rddreg [dreg:$0x2];
	[bflag:$0x3] =	sbarrier.arrive $0xFFFF;
	s2 =	simm.s32 @!p0 $0x1C02  }
0xaf: {  	[timem:s3], [sflag:s2] =	dma.local @!p0 [hbm:s0], s1  }
0xb0: {  	s0 =	simm.s32 @!p0 $0x2  }
0xb1: {  	_ =	swait.ge @!p0 [sflag:s0], s1  }
0xb2: {  	s1 =	ssub.s32 @!p0 $0x0, s1;
	[sflag:s0] =	ssyncset.done @!p0 $0x0  }
0xb3: {  	[sflag:s0] =	ssyncadd.s32 @!p0 s1  }
0xb4: {  	[bflag:$0x3] =	sbarrier.arrive $0xFFFF  }
0xb5: {  	_ =	shalt  }

</sc_bundles>
